<compile_context>
chip_gen: v7x
topology: tpu7x:2x2x1
jax: 0.10.2.dev20260603
libtpu: 0.0.44.dev20260713+nightly
codegen_flags: <defaults>
</compile_context>

<pallas_src>
import functools
import jax
import jax.numpy as jnp
from jax import lax
from jax.experimental import pallas as pl
from jax.experimental.pallas import tpu as pltpu
from jax.experimental.pallas import tpu_sc as plsc

VOCAB = 1000
ROWS = 4096
COLS = 50
L = 16
NGROUPS = 4


def _scatter_row(idx_v, buf, c, value):
    for g in range(NGROUPS):
        col = lax.broadcasted_iota(jnp.int32, (L,), 0) + (g * L)
        idxvals = idx_v[c, pl.ds(g * L, L)]
        mask = col < COLS
        vals = jnp.full((L,), value, jnp.float32)
        plsc.store_scatter(buf, [col, idxvals], vals, mask=mask)


def _make_sc_kernel(rows_per_worker, nc, ns):
    mesh = plsc.VectorSubcoreMesh(core_axis_name="c", subcore_axis_name="s")

    @functools.partial(
        pl.kernel,
        mesh=mesh,
        out_type=jax.ShapeDtypeStruct((ROWS, COLS, VOCAB), jnp.float32),
        scratch_types=[
            pltpu.VMEM((rows_per_worker, 64), jnp.int32),
            pltpu.VMEM((COLS, VOCAB), jnp.float32),
            pltpu.VMEM((COLS, VOCAB), jnp.float32),
            pltpu.SemaphoreType.DMA,
            pltpu.SemaphoreType.DMA,
        ],
        compiler_params=pltpu.CompilerParams(needs_layout_passes=False),
    )
    def sc_onehot(idx_hbm, zeros_hbm, out_hbm, idx_v, buf0, buf1, sem0, sem1):
        wid = lax.axis_index("s") * nc + lax.axis_index("c")
        row0 = wid * rows_per_worker

        pltpu.sync_copy(idx_hbm.at[pl.ds(row0, rows_per_worker)], idx_v)
        pltpu.sync_copy(zeros_hbm, buf0)
        pltpu.sync_copy(zeros_hbm, buf1)

        def step(c, carry):
            for b, (buf, sem) in enumerate(((buf0, sem0), (buf1, sem1))):
                @pl.when(lax.rem(c, 2) == b)
                def _(buf=buf, sem=sem):
                    @pl.when(c >= 2)
                    def _():
                        pltpu.make_async_copy(
                            buf, out_hbm.at[row0 + c - 2], sem
                        ).wait()
                        _scatter_row(idx_v, buf, c - 2, 0.0)

                    _scatter_row(idx_v, buf, c, 1.0)
                    pltpu.make_async_copy(
                        buf, out_hbm.at[row0 + c], sem
                    ).start()
            return carry

        lax.fori_loop(0, rows_per_worker, step, 0)

        pltpu.make_async_copy(
            buf0, out_hbm.at[row0 + rows_per_worker - 2], sem0
        ).wait()
        pltpu.make_async_copy(
            buf1, out_hbm.at[row0 + rows_per_worker - 1], sem1
        ).wait()

    return sc_onehot


def kernel(inputs):
    info = plsc.get_sparse_core_info()
    nc, ns = info.num_cores, info.num_subcores
    nw = nc * ns
    rows_per_worker = ROWS // nw
    idx_pad = jnp.pad(inputs, ((0, 0), (0, 64 - COLS)))
    zeros = jnp.zeros((COLS, VOCAB), jnp.float32)
    sc = _make_sc_kernel(rows_per_worker, nc, ns)
    return sc(idx_pad, zeros)

# --- scband reference (transcript-rebuilt; emitter-appended) ---
"""Pipeline reference for scband-rnn-model-42331197669880 (READ-ONLY COPY).

The authoritative reference and input builder live on the scoring server;
editing this copy changes nothing except your own understanding.
"""

import jax, jax.numpy as jnp
import numpy as np

VOCAB_SIZE = 1000

def setup_inputs(seed: int = 0) -> dict:
    key = jax.random.key(seed)
    inputs = jax.random.randint(key, (4096, 50), 0, VOCAB_SIZE, dtype=jnp.int64 if jax.config.jax_enable_x64 else jnp.int32).astype(jnp.int32)
    return {"inputs": inputs}

def reference(inputs) -> jnp.ndarray:
    # RnnModel.call: output = OneHot(vocab_size)(inputs)
    # OneHot.call: tf.one_hot(tf.cast(x, tf.int32), depth)
    idx = inputs.astype(jnp.int32)
    out = jax.nn.one_hot(idx, VOCAB_SIZE, dtype=jnp.float32)
    return out

if __name__ == "__main__":
    import jax
    _d = setup_inputs()
    print(jax.jit(kernel)(*tuple(_d.values())))

</pallas_src>

<mosaic_0001>
#map = affine_map<(d0, d1) -> (0, 0)>
#map1 = affine_map<(d0, d1) -> (0, 0, 0)>
module attributes {stable_mosaic.version = 14 : i64} {
  func.func @sc_onehot(%arg0: i32, %arg1: i32, %arg2: memref<4096x64xi32, #tpu.memory_space<hbm>>, %arg3: memref<50x1000xf32, #tpu.memory_space<hbm>>, %arg4: memref<4096x50x1000xf32, #tpu.memory_space<hbm>>, %arg5: memref<128x64xi32, #tpu.memory_space<vmem>>, %arg6: memref<50x1000xf32, #tpu.memory_space<vmem>>, %arg7: memref<50x1000xf32, #tpu.memory_space<vmem>>, %arg8: memref<!tpu.dma_semaphore, #tpu.memory_space<semaphore_mem>>, %arg9: memref<!tpu.dma_semaphore, #tpu.memory_space<semaphore_mem>>) attributes {dimension_semantics = [#tpu.dimension_semantics<core_parallel>, #tpu.dimension_semantics<subcore_parallel>], iteration_bounds = array<i64: 2, 16>, scalar_prefetch = 0 : i64, scratch_operands = 5 : i64, tpu.core_type = #tpu.core_type<sc_vector_subcore>, window_params = [{transform_indices = #map}, {transform_indices = #map}, {transform_indices = #map1}]} {
    %mul3A = arith.constant 2 : i32
    %mul3A_0 = arith.muli %arg1, %mul3A : i32
    %add3A = arith.addi %mul3A_0, %arg0 : i32
    %mul3A_1 = arith.constant 128 : i32
    %mul3A_2 = arith.muli %add3A, %mul3A_1 : i32
    "tpu.region"() ({
      %run_scoped3A = tpu.sem_alloc : memref<!tpu.dma_semaphore, #tpu.memory_space<semaphore_mem>>
      %dma_start3A = arith.constant 0 : i32
      %dma_start3A_30 = tpu.memref_slice %arg2[%mul3A_2, %dma_start3A] : memref<4096x64xi32, #tpu.memory_space<hbm>> -> memref<128x64xi32, #tpu.memory_space<hbm>>
      %dma_start3A_31 = arith.constant 0 : i32
      %dma_start3A_32 = tpu.memref_slice %arg2[%mul3A_2, %dma_start3A_31] : memref<4096x64xi32, #tpu.memory_space<hbm>> -> memref<128x64xi32, #tpu.memory_space<hbm>>
      tpu.enqueue_dma source(%dma_start3A_32 : memref<128x64xi32, #tpu.memory_space<hbm>>) target(%arg5 : memref<128x64xi32, #tpu.memory_space<vmem>>) target_semaphore(%run_scoped3A : memref<!tpu.dma_semaphore, #tpu.memory_space<semaphore_mem>>)
      %dma_wait3A_33 = arith.constant 0 : i32
      %dma_wait3A_34 = tpu.memref_slice %arg2[%mul3A_2, %dma_wait3A_33] : memref<4096x64xi32, #tpu.memory_space<hbm>> -> memref<128x64xi32, #tpu.memory_space<hbm>>
      %dma_wait3A_35 = arith.constant 0 : i32
      %dma_wait3A_36 = tpu.memref_slice %arg2[%mul3A_2, %dma_wait3A_35] : memref<4096x64xi32, #tpu.memory_space<hbm>> -> memref<128x64xi32, #tpu.memory_space<hbm>>
      tpu.wait_dma2 semaphore(%run_scoped3A : memref<!tpu.dma_semaphore, #tpu.memory_space<semaphore_mem>>) src(%dma_wait3A_36 : memref<128x64xi32, #tpu.memory_space<hbm>>) dst(%arg5 : memref<128x64xi32, #tpu.memory_space<vmem>>)
      tpu.yield
    }) : () -> ()
    "tpu.region"() ({
      %run_scoped3A = tpu.sem_alloc : memref<!tpu.dma_semaphore, #tpu.memory_space<semaphore_mem>>
      tpu.enqueue_dma source(%arg3 : memref<50x1000xf32, #tpu.memory_space<hbm>>) target(%arg6 : memref<50x1000xf32, #tpu.memory_space<vmem>>) target_semaphore(%run_scoped3A : memref<!tpu.dma_semaphore, #tpu.memory_space<semaphore_mem>>)
      tpu.wait_dma2 semaphore(%run_scoped3A : memref<!tpu.dma_semaphore, #tpu.memory_space<semaphore_mem>>) src(%arg3 : memref<50x1000xf32, #tpu.memory_space<hbm>>) dst(%arg6 : memref<50x1000xf32, #tpu.memory_space<vmem>>)
      tpu.yield
    }) : () -> ()
    "tpu.region"() ({
      %run_scoped3A = tpu.sem_alloc : memref<!tpu.dma_semaphore, #tpu.memory_space<semaphore_mem>>
      tpu.enqueue_dma source(%arg3 : memref<50x1000xf32, #tpu.memory_space<hbm>>) target(%arg7 : memref<50x1000xf32, #tpu.memory_space<vmem>>) target_semaphore(%run_scoped3A : memref<!tpu.dma_semaphore, #tpu.memory_space<semaphore_mem>>)
      tpu.wait_dma2 semaphore(%run_scoped3A : memref<!tpu.dma_semaphore, #tpu.memory_space<semaphore_mem>>) src(%arg3 : memref<50x1000xf32, #tpu.memory_space<hbm>>) dst(%arg7 : memref<50x1000xf32, #tpu.memory_space<vmem>>)
      tpu.yield
    }) : () -> ()
    %scan3A = arith.constant 0 : i32
    %scan3A_3 = arith.constant 0 : i32
    %scan3A_4 = arith.constant 128 : i32
    %scan3A_5 = arith.addi %scan3A_3, %scan3A_4 : i32
    %scan3A_6 = arith.constant 1 : i32
    scf.for %scan3A_30 = %scan3A_3 to %scan3A_5 step %scan3A_6  : i32 {
      %rem3A = arith.constant 2 : i32
      %rem3A_31 = arith.remsi %scan3A_30, %rem3A : i32
      %eq3A = arith.constant 0 : i32
      %eq3A_32 = arith.cmpi eq, %rem3A_31, %eq3A : i32
      %convert_element_type3A = arith.extui %eq3A_32 : i1 to i32
      %cond3A = arith.constant 0 : i32
      %cond3A_33 = arith.cmpi ne, %convert_element_type3A, %cond3A : i32
      scf.if %cond3A_33 {
        %ge3A = arith.constant 2 : i32
        %ge3A_41 = arith.cmpi sge, %scan3A_30, %ge3A : i32
        %convert_element_type3A_42 = arith.extui %ge3A_41 : i1 to i32
        %cond3A_43 = arith.constant 0 : i32
        %cond3A_44 = arith.cmpi ne, %convert_element_type3A_42, %cond3A_43 : i32
        scf.if %cond3A_44 {
          %add3A_97 = arith.addi %mul3A_2, %scan3A_30 : i32
          %sub3A_98 = arith.constant 2 : i32
          %sub3A_99 = arith.subi %add3A_97, %sub3A_98 : i32
          %dma_wait3A_100 = arith.constant 0 : i32
          %dma_wait3A_101 = arith.constant 0 : i32
          %dma_wait3A_102 = tpu.memref_slice %arg4[%sub3A_99, %dma_wait3A_100, %dma_wait3A_101] : memref<4096x50x1000xf32, #tpu.memory_space<hbm>> -> memref<1x50x1000xf32, #tpu.memory_space<hbm>>
          %dma_wait3A_103 = tpu.memref_squeeze %dma_wait3A_102 : memref<1x50x1000xf32, #tpu.memory_space<hbm>> -> memref<50x1000xf32, #tpu.memory_space<hbm>>
          %dma_wait3A_104 = arith.constant 0 : i32
          %dma_wait3A_105 = arith.constant 0 : i32
          %dma_wait3A_106 = tpu.memref_slice %arg4[%sub3A_99, %dma_wait3A_104, %dma_wait3A_105] : memref<4096x50x1000xf32, #tpu.memory_space<hbm>> -> memref<1x50x1000xf32, #tpu.memory_space<hbm>>
          %dma_wait3A_107 = tpu.memref_squeeze %dma_wait3A_106 : memref<1x50x1000xf32, #tpu.memory_space<hbm>> -> memref<50x1000xf32, #tpu.memory_space<hbm>>
          tpu.wait_dma2 semaphore(%arg8 : memref<!tpu.dma_semaphore, #tpu.memory_space<semaphore_mem>>) src(%arg6 : memref<50x1000xf32, #tpu.memory_space<vmem>>) dst(%dma_wait3A_107 : memref<50x1000xf32, #tpu.memory_space<hbm>>)
          %sub3A_108 = arith.constant 2 : i32
          %sub3A_109 = arith.subi %scan3A_30, %sub3A_108 : i32
          %iota3A_110 = tpu.iota {dimensions = array<i32: 0>} : vector<16xi32>
          %add3A_111 = arith.constant 0 : i32
          %add3A_112 = vector.broadcast %add3A_111 : i32 to vector<16xi32>
          %add3A_113 = arith.addi %iota3A_110, %add3A_112 : vector<16xi32>
          %get3A_114 = arith.index_cast %sub3A_109 : i32 to index
          %get3A_115 = arith.constant 0 : index
          %get3A_116 = tpu.vector_load %arg5[%get3A_114, %get3A_115] {strides = array<i32>} : memref<128x64xi32, #tpu.memory_space<vmem>>, vector<16xi32>,
          %lt3A_117 = arith.constant 50 : i32
          %lt3A_118 = vector.broadcast %lt3A_117 : i32 to vector<16xi32>
          %lt3A_119 = arith.cmpi slt, %add3A_113, %lt3A_118 : vector<16xi32>
          %broadcast_in_dim3A_120 = arith.constant 0.000000e+00 : f32
          %broadcast_in_dim3A_121 = vector.broadcast %broadcast_in_dim3A_120 : f32 to vector<16xf32>
          tpu.vector_store_idx %arg6[%add3A_113, %get3A_116], %broadcast_in_dim3A_121 masked %lt3A_119 : memref<50x1000xf32, #tpu.memory_space<vmem>>[vector<16xi32>, vector<16xi32>], vector<16xf32>, vector<16xi1>
          %iota3A_122 = tpu.iota {dimensions = array<i32: 0>} : vector<16xi32>
          %add3A_123 = arith.constant 16 : i32
          %add3A_124 = vector.broadcast %add3A_123 : i32 to vector<16xi32>
          %add3A_125 = arith.addi %iota3A_122, %add3A_124 : vector<16xi32>
          %get3A_126 = arith.index_cast %sub3A_109 : i32 to index
          %get3A_127 = arith.constant 16 : index
          %get3A_128 = tpu.vector_load %arg5[%get3A_126, %get3A_127] {strides = array<i32>} : memref<128x64xi32, #tpu.memory_space<vmem>>, vector<16xi32>,
          %lt3A_129 = arith.constant 50 : i32
          %lt3A_130 = vector.broadcast %lt3A_129 : i32 to vector<16xi32>
          %lt3A_131 = arith.cmpi slt, %add3A_125, %lt3A_130 : vector<16xi32>
          %broadcast_in_dim3A_132 = arith.constant 0.000000e+00 : f32
          %broadcast_in_dim3A_133 = vector.broadcast %broadcast_in_dim3A_132 : f32 to vector<16xf32>
          tpu.vector_store_idx %arg6[%add3A_125, %get3A_128], %broadcast_in_dim3A_133 masked %lt3A_131 : memref<50x1000xf32, #tpu.memory_space<vmem>>[vector<16xi32>, vector<16xi32>], vector<16xf32>, vector<16xi1>
          %iota3A_134 = tpu.iota {dimensions = array<i32: 0>} : vector<16xi32>
          %add3A_135 = arith.constant 32 : i32
          %add3A_136 = vector.broadcast %add3A_135 : i32 to vector<16xi32>
          %add3A_137 = arith.addi %iota3A_134, %add3A_136 : vector<16xi32>
          %get3A_138 = arith.index_cast %sub3A_109 : i32 to index
          %get3A_139 = arith.constant 32 : index
          %get3A_140 = tpu.vector_load %arg5[%get3A_138, %get3A_139] {strides = array<i32>} : memref<128x64xi32, #tpu.memory_space<vmem>>, vector<16xi32>,
          %lt3A_141 = arith.constant 50 : i32
          %lt3A_142 = vector.broadcast %lt3A_141 : i32 to vector<16xi32>
          %lt3A_143 = arith.cmpi slt, %add3A_137, %lt3A_142 : vector<16xi32>
          %broadcast_in_dim3A_144 = arith.constant 0.000000e+00 : f32
          %broadcast_in_dim3A_145 = vector.broadcast %broadcast_in_dim3A_144 : f32 to vector<16xf32>
          tpu.vector_store_idx %arg6[%add3A_137, %get3A_140], %broadcast_in_dim3A_145 masked %lt3A_143 : memref<50x1000xf32, #tpu.memory_space<vmem>>[vector<16xi32>, vector<16xi32>], vector<16xf32>, vector<16xi1>
          %iota3A_146 = tpu.iota {dimensions = array<i32: 0>} : vector<16xi32>
          %add3A_147 = arith.constant 48 : i32
          %add3A_148 = vector.broadcast %add3A_147 : i32 to vector<16xi32>
          %add3A_149 = arith.addi %iota3A_146, %add3A_148 : vector<16xi32>
          %get3A_150 = arith.index_cast %sub3A_109 : i32 to index
          %get3A_151 = arith.constant 48 : index
          %get3A_152 = tpu.vector_load %arg5[%get3A_150, %get3A_151] {strides = array<i32>} : memref<128x64xi32, #tpu.memory_space<vmem>>, vector<16xi32>,
          %lt3A_153 = arith.constant 50 : i32
          %lt3A_154 = vector.broadcast %lt3A_153 : i32 to vector<16xi32>
          %lt3A_155 = arith.cmpi slt, %add3A_149, %lt3A_154 : vector<16xi32>
          %broadcast_in_dim3A_156 = arith.constant 0.000000e+00 : f32
          %broadcast_in_dim3A_157 = vector.broadcast %broadcast_in_dim3A_156 : f32 to vector<16xf32>
          tpu.vector_store_idx %arg6[%add3A_149, %get3A_152], %broadcast_in_dim3A_157 masked %lt3A_155 : memref<50x1000xf32, #tpu.memory_space<vmem>>[vector<16xi32>, vector<16xi32>], vector<16xf32>, vector<16xi1>
        } else {
        }
        %iota3A = tpu.iota {dimensions = array<i32: 0>} : vector<16xi32>
        %add3A_45 = arith.constant 0 : i32
        %add3A_46 = vector.broadcast %add3A_45 : i32 to vector<16xi32>
        %add3A_47 = arith.addi %iota3A, %add3A_46 : vector<16xi32>
        %get3A = arith.index_cast %scan3A_30 : i32 to index
        %get3A_48 = arith.constant 0 : index
        %get3A_49 = tpu.vector_load %arg5[%get3A, %get3A_48] {strides = array<i32>} : memref<128x64xi32, #tpu.memory_space<vmem>>, vector<16xi32>,
        %lt3A = arith.constant 50 : i32
        %lt3A_50 = vector.broadcast %lt3A : i32 to vector<16xi32>
        %lt3A_51 = arith.cmpi slt, %add3A_47, %lt3A_50 : vector<16xi32>
        %broadcast_in_dim3A = arith.constant 1.000000e+00 : f32
        %broadcast_in_dim3A_52 = vector.broadcast %broadcast_in_dim3A : f32 to vector<16xf32>
        tpu.vector_store_idx %arg6[%add3A_47, %get3A_49], %broadcast_in_dim3A_52 masked %lt3A_51 : memref<50x1000xf32, #tpu.memory_space<vmem>>[vector<16xi32>, vector<16xi32>], vector<16xf32>, vector<16xi1>
        %iota3A_53 = tpu.iota {dimensions = array<i32: 0>} : vector<16xi32>
        %add3A_54 = arith.constant 16 : i32
        %add3A_55 = vector.broadcast %add3A_54 : i32 to vector<16xi32>
        %add3A_56 = arith.addi %iota3A_53, %add3A_55 : vector<16xi32>
        %get3A_57 = arith.index_cast %scan3A_30 : i32 to index
        %get3A_58 = arith.constant 16 : index
        %get3A_59 = tpu.vector_load %arg5[%get3A_57, %get3A_58] {strides = array<i32>} : memref<128x64xi32, #tpu.memory_space<vmem>>, vector<16xi32>,
        %lt3A_60 = arith.constant 50 : i32
        %lt3A_61 = vector.broadcast %lt3A_60 : i32 to vector<16xi32>
        %lt3A_62 = arith.cmpi slt, %add3A_56, %lt3A_61 : vector<16xi32>
        %broadcast_in_dim3A_63 = arith.constant 1.000000e+00 : f32
        %broadcast_in_dim3A_64 = vector.broadcast %broadcast_in_dim3A_63 : f32 to vector<16xf32>
        tpu.vector_store_idx %arg6[%add3A_56, %get3A_59], %broadcast_in_dim3A_64 masked %lt3A_62 : memref<50x1000xf32, #tpu.memory_space<vmem>>[vector<16xi32>, vector<16xi32>], vector<16xf32>, vector<16xi1>
        %iota3A_65 = tpu.iota {dimensions = array<i32: 0>} : vector<16xi32>
        %add3A_66 = arith.constant 32 : i32
        %add3A_67 = vector.broadcast %add3A_66 : i32 to vector<16xi32>
        %add3A_68 = arith.addi %iota3A_65, %add3A_67 : vector<16xi32>
        %get3A_69 = arith.index_cast %scan3A_30 : i32 to index
        %get3A_70 = arith.constant 32 : index
        %get3A_71 = tpu.vector_load %arg5[%get3A_69, %get3A_70] {strides = array<i32>} : memref<128x64xi32, #tpu.memory_space<vmem>>, vector<16xi32>,
        %lt3A_72 = arith.constant 50 : i32
        %lt3A_73 = vector.broadcast %lt3A_72 : i32 to vector<16xi32>
        %lt3A_74 = arith.cmpi slt, %add3A_68, %lt3A_73 : vector<16xi32>
        %broadcast_in_dim3A_75 = arith.constant 1.000000e+00 : f32
        %broadcast_in_dim3A_76 = vector.broadcast %broadcast_in_dim3A_75 : f32 to vector<16xf32>
        tpu.vector_store_idx %arg6[%add3A_68, %get3A_71], %broadcast_in_dim3A_76 masked %lt3A_74 : memref<50x1000xf32, #tpu.memory_space<vmem>>[vector<16xi32>, vector<16xi32>], vector<16xf32>, vector<16xi1>
        %iota3A_77 = tpu.iota {dimensions = array<i32: 0>} : vector<16xi32>
        %add3A_78 = arith.constant 48 : i32
        %add3A_79 = vector.broadcast %add3A_78 : i32 to vector<16xi32>
        %add3A_80 = arith.addi %iota3A_77, %add3A_79 : vector<16xi32>
        %get3A_81 = arith.index_cast %scan3A_30 : i32 to index
        %get3A_82 = arith.constant 48 : index
        %get3A_83 = tpu.vector_load %arg5[%get3A_81, %get3A_82] {strides = array<i32>} : memref<128x64xi32, #tpu.memory_space<vmem>>, vector<16xi32>,
        %lt3A_84 = arith.constant 50 : i32
        %lt3A_85 = vector.broadcast %lt3A_84 : i32 to vector<16xi32>
        %lt3A_86 = arith.cmpi slt, %add3A_80, %lt3A_85 : vector<16xi32>
        %broadcast_in_dim3A_87 = arith.constant 1.000000e+00 : f32
        %broadcast_in_dim3A_88 = vector.broadcast %broadcast_in_dim3A_87 : f32 to vector<16xf32>
        tpu.vector_store_idx %arg6[%add3A_80, %get3A_83], %broadcast_in_dim3A_88 masked %lt3A_86 : memref<50x1000xf32, #tpu.memory_space<vmem>>[vector<16xi32>, vector<16xi32>], vector<16xf32>, vector<16xi1>
        %add3A_89 = arith.addi %mul3A_2, %scan3A_30 : i32
        %dma_start3A = arith.constant 0 : i32
        %dma_start3A_90 = arith.constant 0 : i32
        %dma_start3A_91 = tpu.memref_slice %arg4[%add3A_89, %dma_start3A, %dma_start3A_90] : memref<4096x50x1000xf32, #tpu.memory_space<hbm>> -> memref<1x50x1000xf32, #tpu.memory_space<hbm>>
        %dma_start3A_92 = tpu.memref_squeeze %dma_start3A_91 : memref<1x50x1000xf32, #tpu.memory_space<hbm>> -> memref<50x1000xf32, #tpu.memory_space<hbm>>
        %dma_start3A_93 = arith.constant 0 : i32
        %dma_start3A_94 = arith.constant 0 : i32
        %dma_start3A_95 = tpu.memref_slice %arg4[%add3A_89, %dma_start3A_93, %dma_start3A_94] : memref<4096x50x1000xf32, #tpu.memory_space<hbm>> -> memref<1x50x1000xf32, #tpu.memory_space<hbm>>
        %dma_start3A_96 = tpu.memref_squeeze %dma_start3A_95 : memref<1x50x1000xf32, #tpu.memory_space<hbm>> -> memref<50x1000xf32, #tpu.memory_space<hbm>>
        tpu.enqueue_dma source(%arg6 : memref<50x1000xf32, #tpu.memory_space<vmem>>) target(%dma_start3A_96 : memref<50x1000xf32, #tpu.memory_space<hbm>>) target_semaphore(%arg8 : memref<!tpu.dma_semaphore, #tpu.memory_space<semaphore_mem>>)
      } else {
      }
      %rem3A_34 = arith.constant 2 : i32
      %rem3A_35 = arith.remsi %scan3A_30, %rem3A_34 : i32
      %eq3A_36 = arith.constant 1 : i32
      %eq3A_37 = arith.cmpi eq, %rem3A_35, %eq3A_36 : i32
      %convert_element_type3A_38 = arith.extui %eq3A_37 : i1 to i32
      %cond3A_39 = arith.constant 0 : i32
      %cond3A_40 = arith.cmpi ne, %convert_element_type3A_38, %cond3A_39 : i32
      scf.if %cond3A_40 {
        %ge3A = arith.constant 2 : i32
        %ge3A_41 = arith.cmpi sge, %scan3A_30, %ge3A : i32
        %convert_element_type3A_42 = arith.extui %ge3A_41 : i1 to i32
        %cond3A_43 = arith.constant 0 : i32
        %cond3A_44 = arith.cmpi ne, %convert_element_type3A_42, %cond3A_43 : i32
        scf.if %cond3A_44 {
          %add3A_97 = arith.addi %mul3A_2, %scan3A_30 : i32
          %sub3A_98 = arith.constant 2 : i32
          %sub3A_99 = arith.subi %add3A_97, %sub3A_98 : i32
          %dma_wait3A_100 = arith.constant 0 : i32
          %dma_wait3A_101 = arith.constant 0 : i32
          %dma_wait3A_102 = tpu.memref_slice %arg4[%sub3A_99, %dma_wait3A_100, %dma_wait3A_101] : memref<4096x50x1000xf32, #tpu.memory_space<hbm>> -> memref<1x50x1000xf32, #tpu.memory_space<hbm>>
          %dma_wait3A_103 = tpu.memref_squeeze %dma_wait3A_102 : memref<1x50x1000xf32, #tpu.memory_space<hbm>> -> memref<50x1000xf32, #tpu.memory_space<hbm>>
          %dma_wait3A_104 = arith.constant 0 : i32
          %dma_wait3A_105 = arith.constant 0 : i32
          %dma_wait3A_106 = tpu.memref_slice %arg4[%sub3A_99, %dma_wait3A_104, %dma_wait3A_105] : memref<4096x50x1000xf32, #tpu.memory_space<hbm>> -> memref<1x50x1000xf32, #tpu.memory_space<hbm>>
          %dma_wait3A_107 = tpu.memref_squeeze %dma_wait3A_106 : memref<1x50x1000xf32, #tpu.memory_space<hbm>> -> memref<50x1000xf32, #tpu.memory_space<hbm>>
          tpu.wait_dma2 semaphore(%arg9 : memref<!tpu.dma_semaphore, #tpu.memory_space<semaphore_mem>>) src(%arg7 : memref<50x1000xf32, #tpu.memory_space<vmem>>) dst(%dma_wait3A_107 : memref<50x1000xf32, #tpu.memory_space<hbm>>)
          %sub3A_108 = arith.constant 2 : i32
          %sub3A_109 = arith.subi %scan3A_30, %sub3A_108 : i32
          %iota3A_110 = tpu.iota {dimensions = array<i32: 0>} : vector<16xi32>
          %add3A_111 = arith.constant 0 : i32
          %add3A_112 = vector.broadcast %add3A_111 : i32 to vector<16xi32>
          %add3A_113 = arith.addi %iota3A_110, %add3A_112 : vector<16xi32>
          %get3A_114 = arith.index_cast %sub3A_109 : i32 to index
          %get3A_115 = arith.constant 0 : index
          %get3A_116 = tpu.vector_load %arg5[%get3A_114, %get3A_115] {strides = array<i32>} : memref<128x64xi32, #tpu.memory_space<vmem>>, vector<16xi32>,
          %lt3A_117 = arith.constant 50 : i32
          %lt3A_118 = vector.broadcast %lt3A_117 : i32 to vector<16xi32>
          %lt3A_119 = arith.cmpi slt, %add3A_113, %lt3A_118 : vector<16xi32>
          %broadcast_in_dim3A_120 = arith.constant 0.000000e+00 : f32
          %broadcast_in_dim3A_121 = vector.broadcast %broadcast_in_dim3A_120 : f32 to vector<16xf32>
          tpu.vector_store_idx %arg7[%add3A_113, %get3A_116], %broadcast_in_dim3A_121 masked %lt3A_119 : memref<50x1000xf32, #tpu.memory_space<vmem>>[vector<16xi32>, vector<16xi32>], vector<16xf32>, vector<16xi1>
          %iota3A_122 = tpu.iota {dimensions = array<i32: 0>} : vector<16xi32>
          %add3A_123 = arith.constant 16 : i32
          %add3A_124 = vector.broadcast %add3A_123 : i32 to vector<16xi32>
          %add3A_125 = arith.addi %iota3A_122, %add3A_124 : vector<16xi32>
          %get3A_126 = arith.index_cast %sub3A_109 : i32 to index
          %get3A_127 = arith.constant 16 : index
          %get3A_128 = tpu.vector_load %arg5[%get3A_126, %get3A_127] {strides = array<i32>} : memref<128x64xi32, #tpu.memory_space<vmem>>, vector<16xi32>,
          %lt3A_129 = arith.constant 50 : i32
          %lt3A_130 = vector.broadcast %lt3A_129 : i32 to vector<16xi32>
          %lt3A_131 = arith.cmpi slt, %add3A_125, %lt3A_130 : vector<16xi32>
          %broadcast_in_dim3A_132 = arith.constant 0.000000e+00 : f32
          %broadcast_in_dim3A_133 = vector.broadcast %broadcast_in_dim3A_132 : f32 to vector<16xf32>
          tpu.vector_store_idx %arg7[%add3A_125, %get3A_128], %broadcast_in_dim3A_133 masked %lt3A_131 : memref<50x1000xf32, #tpu.memory_space<vmem>>[vector<16xi32>, vector<16xi32>], vector<16xf32>, vector<16xi1>
          %iota3A_134 = tpu.iota {dimensions = array<i32: 0>} : vector<16xi32>
          %add3A_135 = arith.constant 32 : i32
          %add3A_136 = vector.broadcast %add3A_135 : i32 to vector<16xi32>
          %add3A_137 = arith.addi %iota3A_134, %add3A_136 : vector<16xi32>
          %get3A_138 = arith.index_cast %sub3A_109 : i32 to index
          %get3A_139 = arith.constant 32 : index
          %get3A_140 = tpu.vector_load %arg5[%get3A_138, %get3A_139] {strides = array<i32>} : memref<128x64xi32, #tpu.memory_space<vmem>>, vector<16xi32>,
          %lt3A_141 = arith.constant 50 : i32
          %lt3A_142 = vector.broadcast %lt3A_141 : i32 to vector<16xi32>
          %lt3A_143 = arith.cmpi slt, %add3A_137, %lt3A_142 : vector<16xi32>
          %broadcast_in_dim3A_144 = arith.constant 0.000000e+00 : f32
          %broadcast_in_dim3A_145 = vector.broadcast %broadcast_in_dim3A_144 : f32 to vector<16xf32>
          tpu.vector_store_idx %arg7[%add3A_137, %get3A_140], %broadcast_in_dim3A_145 masked %lt3A_143 : memref<50x1000xf32, #tpu.memory_space<vmem>>[vector<16xi32>, vector<16xi32>], vector<16xf32>, vector<16xi1>
          %iota3A_146 = tpu.iota {dimensions = array<i32: 0>} : vector<16xi32>
          %add3A_147 = arith.constant 48 : i32
          %add3A_148 = vector.broadcast %add3A_147 : i32 to vector<16xi32>
          %add3A_149 = arith.addi %iota3A_146, %add3A_148 : vector<16xi32>
          %get3A_150 = arith.index_cast %sub3A_109 : i32 to index
          %get3A_151 = arith.constant 48 : index
          %get3A_152 = tpu.vector_load %arg5[%get3A_150, %get3A_151] {strides = array<i32>} : memref<128x64xi32, #tpu.memory_space<vmem>>, vector<16xi32>,
          %lt3A_153 = arith.constant 50 : i32
          %lt3A_154 = vector.broadcast %lt3A_153 : i32 to vector<16xi32>
          %lt3A_155 = arith.cmpi slt, %add3A_149, %lt3A_154 : vector<16xi32>
          %broadcast_in_dim3A_156 = arith.constant 0.000000e+00 : f32
          %broadcast_in_dim3A_157 = vector.broadcast %broadcast_in_dim3A_156 : f32 to vector<16xf32>
          tpu.vector_store_idx %arg7[%add3A_149, %get3A_152], %broadcast_in_dim3A_157 masked %lt3A_155 : memref<50x1000xf32, #tpu.memory_space<vmem>>[vector<16xi32>, vector<16xi32>], vector<16xf32>, vector<16xi1>
        } else {
        }
        %iota3A = tpu.iota {dimensions = array<i32: 0>} : vector<16xi32>
        %add3A_45 = arith.constant 0 : i32
        %add3A_46 = vector.broadcast %add3A_45 : i32 to vector<16xi32>
        %add3A_47 = arith.addi %iota3A, %add3A_46 : vector<16xi32>
        %get3A = arith.index_cast %scan3A_30 : i32 to index
        %get3A_48 = arith.constant 0 : index
        %get3A_49 = tpu.vector_load %arg5[%get3A, %get3A_48] {strides = array<i32>} : memref<128x64xi32, #tpu.memory_space<vmem>>, vector<16xi32>,
        %lt3A = arith.constant 50 : i32
        %lt3A_50 = vector.broadcast %lt3A : i32 to vector<16xi32>
        %lt3A_51 = arith.cmpi slt, %add3A_47, %lt3A_50 : vector<16xi32>
        %broadcast_in_dim3A = arith.constant 1.000000e+00 : f32
        %broadcast_in_dim3A_52 = vector.broadcast %broadcast_in_dim3A : f32 to vector<16xf32>
        tpu.vector_store_idx %arg7[%add3A_47, %get3A_49], %broadcast_in_dim3A_52 masked %lt3A_51 : memref<50x1000xf32, #tpu.memory_space<vmem>>[vector<16xi32>, vector<16xi32>], vector<16xf32>, vector<16xi1>
        %iota3A_53 = tpu.iota {dimensions = array<i32: 0>} : vector<16xi32>
        %add3A_54 = arith.constant 16 : i32
        %add3A_55 = vector.broadcast %add3A_54 : i32 to vector<16xi32>
        %add3A_56 = arith.addi %iota3A_53, %add3A_55 : vector<16xi32>
        %get3A_57 = arith.index_cast %scan3A_30 : i32 to index
        %get3A_58 = arith.constant 16 : index
        %get3A_59 = tpu.vector_load %arg5[%get3A_57, %get3A_58] {strides = array<i32>} : memref<128x64xi32, #tpu.memory_space<vmem>>, vector<16xi32>,
        %lt3A_60 = arith.constant 50 : i32
        %lt3A_61 = vector.broadcast %lt3A_60 : i32 to vector<16xi32>
        %lt3A_62 = arith.cmpi slt, %add3A_56, %lt3A_61 : vector<16xi32>
        %broadcast_in_dim3A_63 = arith.constant 1.000000e+00 : f32
        %broadcast_in_dim3A_64 = vector.broadcast %broadcast_in_dim3A_63 : f32 to vector<16xf32>
        tpu.vector_store_idx %arg7[%add3A_56, %get3A_59], %broadcast_in_dim3A_64 masked %lt3A_62 : memref<50x1000xf32, #tpu.memory_space<vmem>>[vector<16xi32>, vector<16xi32>], vector<16xf32>, vector<16xi1>
        %iota3A_65 = tpu.iota {dimensions = array<i32: 0>} : vector<16xi32>
        %add3A_66 = arith.constant 32 : i32
        %add3A_67 = vector.broadcast %add3A_66 : i32 to vector<16xi32>
        %add3A_68 = arith.addi %iota3A_65, %add3A_67 : vector<16xi32>
        %get3A_69 = arith.index_cast %scan3A_30 : i32 to index
        %get3A_70 = arith.constant 32 : index
        %get3A_71 = tpu.vector_load %arg5[%get3A_69, %get3A_70] {strides = array<i32>} : memref<128x64xi32, #tpu.memory_space<vmem>>, vector<16xi32>,
        %lt3A_72 = arith.constant 50 : i32
        %lt3A_73 = vector.broadcast %lt3A_72 : i32 to vector<16xi32>
        %lt3A_74 = arith.cmpi slt, %add3A_68, %lt3A_73 : vector<16xi32>
        %broadcast_in_dim3A_75 = arith.constant 1.000000e+00 : f32
        %broadcast_in_dim3A_76 = vector.broadcast %broadcast_in_dim3A_75 : f32 to vector<16xf32>
        tpu.vector_store_idx %arg7[%add3A_68, %get3A_71], %broadcast_in_dim3A_76 masked %lt3A_74 : memref<50x1000xf32, #tpu.memory_space<vmem>>[vector<16xi32>, vector<16xi32>], vector<16xf32>, vector<16xi1>
        %iota3A_77 = tpu.iota {dimensions = array<i32: 0>} : vector<16xi32>
        %add3A_78 = arith.constant 48 : i32
        %add3A_79 = vector.broadcast %add3A_78 : i32 to vector<16xi32>
        %add3A_80 = arith.addi %iota3A_77, %add3A_79 : vector<16xi32>
        %get3A_81 = arith.index_cast %scan3A_30 : i32 to index
        %get3A_82 = arith.constant 48 : index
        %get3A_83 = tpu.vector_load %arg5[%get3A_81, %get3A_82] {strides = array<i32>} : memref<128x64xi32, #tpu.memory_space<vmem>>, vector<16xi32>,
        %lt3A_84 = arith.constant 50 : i32
        %lt3A_85 = vector.broadcast %lt3A_84 : i32 to vector<16xi32>
        %lt3A_86 = arith.cmpi slt, %add3A_80, %lt3A_85 : vector<16xi32>
        %broadcast_in_dim3A_87 = arith.constant 1.000000e+00 : f32
        %broadcast_in_dim3A_88 = vector.broadcast %broadcast_in_dim3A_87 : f32 to vector<16xf32>
        tpu.vector_store_idx %arg7[%add3A_80, %get3A_83], %broadcast_in_dim3A_88 masked %lt3A_86 : memref<50x1000xf32, #tpu.memory_space<vmem>>[vector<16xi32>, vector<16xi32>], vector<16xf32>, vector<16xi1>
        %add3A_89 = arith.addi %mul3A_2, %scan3A_30 : i32
        %dma_start3A = arith.constant 0 : i32
        %dma_start3A_90 = arith.constant 0 : i32
        %dma_start3A_91 = tpu.memref_slice %arg4[%add3A_89, %dma_start3A, %dma_start3A_90] : memref<4096x50x1000xf32, #tpu.memory_space<hbm>> -> memref<1x50x1000xf32, #tpu.memory_space<hbm>>
        %dma_start3A_92 = tpu.memref_squeeze %dma_start3A_91 : memref<1x50x1000xf32, #tpu.memory_space<hbm>> -> memref<50x1000xf32, #tpu.memory_space<hbm>>
        %dma_start3A_93 = arith.constant 0 : i32
        %dma_start3A_94 = arith.constant 0 : i32
        %dma_start3A_95 = tpu.memref_slice %arg4[%add3A_89, %dma_start3A_93, %dma_start3A_94] : memref<4096x50x1000xf32, #tpu.memory_space<hbm>> -> memref<1x50x1000xf32, #tpu.memory_space<hbm>>
        %dma_start3A_96 = tpu.memref_squeeze %dma_start3A_95 : memref<1x50x1000xf32, #tpu.memory_space<hbm>> -> memref<50x1000xf32, #tpu.memory_space<hbm>>
        tpu.enqueue_dma source(%arg7 : memref<50x1000xf32, #tpu.memory_space<vmem>>) target(%dma_start3A_96 : memref<50x1000xf32, #tpu.memory_space<hbm>>) target_semaphore(%arg9 : memref<!tpu.dma_semaphore, #tpu.memory_space<semaphore_mem>>)
      } else {
      }
    }
    %scan3A_7 = arith.constant 128 : i32
    %add3A_8 = arith.constant 128 : i32
    %add3A_9 = arith.addi %mul3A_2, %add3A_8 : i32
    %sub3A = arith.constant 2 : i32
    %sub3A_10 = arith.subi %add3A_9, %sub3A : i32
    %dma_wait3A = arith.constant 0 : i32
    %dma_wait3A_11 = arith.constant 0 : i32
    %dma_wait3A_12 = tpu.memref_slice %arg4[%sub3A_10, %dma_wait3A, %dma_wait3A_11] : memref<4096x50x1000xf32, #tpu.memory_space<hbm>> -> memref<1x50x1000xf32, #tpu.memory_space<hbm>>
    %dma_wait3A_13 = tpu.memref_squeeze %dma_wait3A_12 : memref<1x50x1000xf32, #tpu.memory_space<hbm>> -> memref<50x1000xf32, #tpu.memory_space<hbm>>
    %dma_wait3A_14 = arith.constant 0 : i32
    %dma_wait3A_15 = arith.constant 0 : i32
    %dma_wait3A_16 = tpu.memref_slice %arg4[%sub3A_10, %dma_wait3A_14, %dma_wait3A_15] : memref<4096x50x1000xf32, #tpu.memory_space<hbm>> -> memref<1x50x1000xf32, #tpu.memory_space<hbm>>
    %dma_wait3A_17 = tpu.memref_squeeze %dma_wait3A_16 : memref<1x50x1000xf32, #tpu.memory_space<hbm>> -> memref<50x1000xf32, #tpu.memory_space<hbm>>
    tpu.wait_dma2 semaphore(%arg8 : memref<!tpu.dma_semaphore, #tpu.memory_space<semaphore_mem>>) src(%arg6 : memref<50x1000xf32, #tpu.memory_space<vmem>>) dst(%dma_wait3A_17 : memref<50x1000xf32, #tpu.memory_space<hbm>>)
    %add3A_18 = arith.constant 128 : i32
    %add3A_19 = arith.addi %mul3A_2, %add3A_18 : i32
    %sub3A_20 = arith.constant 1 : i32
    %sub3A_21 = arith.subi %add3A_19, %sub3A_20 : i32
    %dma_wait3A_22 = arith.constant 0 : i32
    %dma_wait3A_23 = arith.constant 0 : i32
    %dma_wait3A_24 = tpu.memref_slice %arg4[%sub3A_21, %dma_wait3A_22, %dma_wait3A_23] : memref<4096x50x1000xf32, #tpu.memory_space<hbm>> -> memref<1x50x1000xf32, #tpu.memory_space<hbm>>
    %dma_wait3A_25 = tpu.memref_squeeze %dma_wait3A_24 : memref<1x50x1000xf32, #tpu.memory_space<hbm>> -> memref<50x1000xf32, #tpu.memory_space<hbm>>
    %dma_wait3A_26 = arith.constant 0 : i32
    %dma_wait3A_27 = arith.constant 0 : i32
    %dma_wait3A_28 = tpu.memref_slice %arg4[%sub3A_21, %dma_wait3A_26, %dma_wait3A_27] : memref<4096x50x1000xf32, #tpu.memory_space<hbm>> -> memref<1x50x1000xf32, #tpu.memory_space<hbm>>
    %dma_wait3A_29 = tpu.memref_squeeze %dma_wait3A_28 : memref<1x50x1000xf32, #tpu.memory_space<hbm>> -> memref<50x1000xf32, #tpu.memory_space<hbm>>
    tpu.wait_dma2 semaphore(%arg9 : memref<!tpu.dma_semaphore, #tpu.memory_space<semaphore_mem>>) src(%arg7 : memref<50x1000xf32, #tpu.memory_space<vmem>>) dst(%dma_wait3A_29 : memref<50x1000xf32, #tpu.memory_space<hbm>>)
    return
  }
}

</mosaic_0001>

<sc_bundles>
// kernel: kernel.3.cloned.1.call-start
scs
__scs_entry_jumppad:
0x0: {  	(pc) =	sbr.rel $0x88, $3  }
0x1: {  	(tag) =	ssettag $0x0;
	lr =	simm.s32 $0x1  }
0x2: {  	[smem:$0x3FA0] =	sst lr;
	_ =	strace $0xD0000000  }
0x3: {  	_ = 	snop  }
0x4: {  	_ = 	snop  }
0x5: {  	_ = 	snop  }
0x6: {  	_ = 	snop  }
0x7: {  	_ = 	snop  }
__scs_overlays_trampoline_lowered:
0x8: {  	[smem:$0x3FAF] =	sst s0  }
0x9: {  	[smem:$0x3FB0] =	sst s1  }
0xa: {  	[smem:$0x3FB1] =	sst s2  }
0xb: {  	[smem:$0x3FB2] =	sst s3  }
0xc: {  	[smem:$0x3FB3] =	sst s4  }
0xd: {  	[smem:$0x3FB4] =	sst s5  }
0xe: {  	[smem:$0x3FB5] =	sst s6  }
0xf: {  	[smem:$0x3FB6] =	sst s7  }
0x10: {  	[smem:$0x3FB7] =	sst s8  }
0x11: {  	[smem:$0x3FB8] =	sst s9;
	s0 =	simm.s32 @!p0 $0x0  }
0x12: {  	s1 =	sld [smem:$0x3F9E];
	s0 =	simm.s32 @p0 $0x1  }
0x13: {  	[smem:$0x3FB9] =	sst s0;
	s0 =	simm.s32 @!p1 $0x0  }
0x14: {  	s2 =	sld [smem:$0x3F9D];
	s0 =	simm.s32 @p1 $0x1  }
0x15: {  	[smem:$0x3FBA] =	sst s0;
	s0 =	simm.s32 @!p2 $0x0  }
0x16: {  	s3 =	sld [smem:$0x3FDB];
	s0 =	simm.s32 @p2 $0x1  }
0x17: {  	s4 =	simm.s32 $0x1BF5;
	[smem:$0x3FBC] =	sst s0  }
0x18: {  	s0 =	sld [smem:$0x3F9F];
	_ =	swait.ge [sflag:s4], $0x0  }
0x19: {  	s7 =	sld [smem:$0x3FA0]  }
0x1a: {  	s8 =	sadd.s32 $0xFFFFE003, lr  }
0x1b: {  	s9 =	sadd.s32 $0xFFFFFEF7, lr;
	s5 =	simm.s32 $0xFFFFFFFF;
	p2 =	slt.u32 s8, $0xFFFFF086  }
0x1c: {  	p1 =	slt.u32 s9, $0xF7A;
	s5 =	simm.s32 @!p2 $0x0  }
0x1d: {  	s5 =	simm.s32 @p1 $0x1;
	p0 =	seq.s32 s7, s2  }
0x1e: {  	s7 =	smul.u32 @!p0 $0xF7A, s2;
	p2 =	seq.s32 @!p0 s5, $0x0  }
0x1f: {  	s9 =	smul.u32 $0xF7A, s1;
	s8 =	simm.s32 @!p0 $0x1BF5;
	p2 =	por !p2, p0  }
0x20: {  	[sflag:s8] =	ssyncset.s32 @!p0 $0xFFFFF086;
	s6 =	sadd.s32 @!p0 s3, s7;
	s7 =	simm.s32 @!p0 $0x108  }
0x21: {  	s3 =	sadd.s32 s3, s9;
	s6 =	sadd.s32 @!p0 $0x88, s6;
	s7 =	simm.s32 @p2 $0x1082  }
0x22: {  	[simem:s7], [sflag:s8] =	dma.local @!p0 [hbm:s6], $0xF7A  }
0x23: {  	s9 =	sor.u32 $0xD0000000, s2;
	s6 =	simm.s32 $0x108;
	_ =	swait.ge @!p0 [sflag:s8], $0x0  }
0x24: {  	s3 =	sadd.s32 $0x88, s3;
	s6 =	simm.s32 @!p1 $0x1082;
	[sflag:s4] =	ssyncset.s32 $0xFFFFF086  }
0x25: {  	[simem:s6], [sflag:s4] =	dma.local [hbm:s3], $0xF7A  }
0x26: {  	[smem:$0x3FA0] =	sst s1;
	(tag) =	ssettag s2;
	_ =	strace s9  }
0x27: {  	s1 =	sld [smem:$0x3FB0]  }
0x28: {  	s2 =	sld [smem:$0x3FB1]  }
0x29: {  	s4 =	sld [smem:$0x3FB3]  }
0x2a: {  	p0 =	seq.s32 s5, $0x0;
	s5 =	sld [smem:$0x3FB4]  }
0x2b: {  	s6 =	sld [smem:$0x3FB5]  }
0x2c: {  	s7 =	sld [smem:$0x3FB6]  }
0x2d: {  	s3 =	simm.s32 $0x108;
	s8 =	sld [smem:$0x3FB7]  }
0x2e: {  	s3 =	simm.s32 @!p0 $0x1082;
	s9 =	sld [smem:$0x3FB8]  }
0x2f: {  	lr =	sadd.s32 s0, s3;
	s0 =	sld [smem:$0x3FAF]  }
0x30: {  	s3 =	sld [smem:$0x3FB2]  }
0x31: {  	[smem:$0x3FBB] =	sst s10  }
0x32: {  	s10 =	sld [smem:$0x3FB9];
	_ =	sdelay $0x3  }
0x33: {  	p0 =	seq.s32 s10, $0x1;
	s10 =	sld [smem:$0x3FBB];
	_ =	sdelay $0x3  }
0x34: {  	[smem:$0x3FBB] =	sst s10  }
0x35: {  	s10 =	sld [smem:$0x3FBA];
	_ =	sdelay $0x3  }
0x36: {  	p1 =	seq.s32 s10, $0x1;
	s10 =	sld [smem:$0x3FBB];
	_ =	sdelay $0x3  }
0x37: {  	[smem:$0x3FBB] =	sst s10  }
0x38: {  	s10 =	sld [smem:$0x3FBC]  }
0x39: {  	_ = 	snop;
	(pc) =	sbr.ind lr, $3  }
0x3a: {  	_ = 	snop  }
0x3b: {  	_ = 	snop  }
0x3c: {  	p2 =	seq.s32 s10, $0x1;
	s10 =	sld [smem:$0x3FBB]  }
0x3d: {  	_ =	shalt  }
0x3e: {  	_ =	shalt  }
0x3f: {  	_ =	shalt  }
0x40: {  	_ =	shalt  }
0x41: {  	_ =	shalt  }
0x42: {  	_ =	shalt  }
0x43: {  	_ =	shalt  }
0x44: {  	_ =	shalt  }
0x45: {  	_ =	shalt  }
0x46: {  	_ =	shalt  }
0x47: {  	_ =	shalt  }
0x48: {  	_ =	shalt  }
0x49: {  	_ =	shalt  }
0x4a: {  	_ =	shalt  }
0x4b: {  	_ =	shalt  }
0x4c: {  	_ =	shalt  }
0x4d: {  	_ =	shalt  }
0x4e: {  	_ =	shalt  }
0x4f: {  	_ =	shalt  }
0x50: {  	_ =	shalt  }
0x51: {  	_ =	shalt  }
0x52: {  	_ =	shalt  }
0x53: {  	_ =	shalt  }
0x54: {  	_ =	shalt  }
0x55: {  	_ =	shalt  }
0x56: {  	_ =	shalt  }
0x57: {  	_ =	shalt  }
0x58: {  	_ =	shalt  }
0x59: {  	_ =	shalt  }
0x5a: {  	_ =	shalt  }
0x5b: {  	_ =	shalt  }
0x5c: {  	_ =	shalt  }
0x5d: {  	_ =	shalt  }
0x5e: {  	_ =	shalt  }
0x5f: {  	_ =	shalt  }
0x60: {  	_ =	shalt  }
0x61: {  	_ =	shalt  }
0x62: {  	_ =	shalt  }
0x63: {  	_ =	shalt  }
0x64: {  	_ =	shalt  }
0x65: {  	_ =	shalt  }
0x66: {  	_ =	shalt  }
0x67: {  	_ =	shalt  }
0x68: {  	_ =	shalt  }
0x69: {  	_ =	shalt  }
0x6a: {  	_ =	shalt  }
0x6b: {  	_ =	shalt  }
0x6c: {  	_ =	shalt  }
0x6d: {  	_ =	shalt  }
0x6e: {  	_ =	shalt  }
0x6f: {  	_ =	shalt  }
0x70: {  	_ =	shalt  }
0x71: {  	_ =	shalt  }
0x72: {  	_ =	shalt  }
0x73: {  	_ =	shalt  }
0x74: {  	_ =	shalt  }
0x75: {  	_ =	shalt  }
0x76: {  	_ =	shalt  }
0x77: {  	_ =	shalt  }
0x78: {  	_ =	shalt  }
0x79: {  	_ =	shalt  }
0x7a: {  	_ =	shalt  }
0x7b: {  	_ =	shalt  }
0x7c: {  	_ =	shalt  }
0x7d: {  	_ =	shalt  }
0x7e: {  	_ =	shalt  }
0x7f: {  	_ =	shalt  }
0x80: {  	_ =	shalt  }
0x81: {  	_ =	shalt  }
0x82: {  	_ =	shalt  }
0x83: {  	_ =	shalt  }
0x84: {  	_ =	shalt  }
0x85: {  	_ =	shalt  }
0x86: {  	_ =	shalt  }
0x87: {  	_ =	shalt  }
.Lfunc_end0:
.L_simem_size_0:
called_computation_lowered:
.L_overlay_start_0:
0x88: {  	s2 =	sld [smem:$0x3FD9]  }
0x89: {  	s3 =	sld [smem:$0x3FFE];
	_ =	sdelay $0x1  }
0x8a: {  	s1 =	srdreg.scid  }
0x8b: {  	s0 =	sand.u32 $0x1, s1  }
0x8c: {  	s17 =	sshll.u32 s0, $0xA;
	s2 =	sadd.s32 s3, s2  }
0x8d: {  	s2 =	sadd.s32 s2, s17  }
0x8e: {  	[smem:$0x3FC7] =	sst s2  }
0x8f: {  	_ = 	snop  }
0x90: {  	s2 =	sld [smem:$0x3FD0];
	(tm) =	ssettm $0x1  }
0x91: {  	s18 =	sld [smem:$0x3FFB];
	_ =	sdelay $0x3  }
0x92: {  	_ =	strace s18  }
0x93: {  	s3 =	sld [smem:$0x3FFC];
	_ =	sdelay $0x3  }
0x94: {  	_ =	strace s3  }
0x95: {  	s3 =	sld [smem:$0x3FFD];
	_ =	sdelay $0x3  }
0x96: {  	_ =	strace s3  }
0x97: {  	_ =	strace $0x8FFFFFFF  }
0x98: {  	s19 =	sld [smem:$0x3FDB];
	_ =	sdelay $0x1  }
0x99: {  	s4 =	simm.s32 $_scs_section_size  }
0x9a: {  	s5 =	simm.s32 $_size__tile_overlayer_lowered;
	s6 =	simm.s32 $_tile_overlayer_lowered  }
0x9b: {  	s22 =	simm.s32 $0x1BFF;
	s21 =	sshll.u32 s6, $0x1;
	s3 =	sadd.s32 s4, s19  }
0x9c: {  	s7 =	simm.s32 $0x0;
	s20 =	sshll.u32 s5, $0x1;
	s5 =	sadd.s32 s21, s3  }
0x9d: {  	[timem:s7], [sflag:s22] =	dma.local [hbm:s5], s20  }
0x9e: {  	_ =	swait.ge [sflag:s22], s20  }
0x9f: {  	s4 =	ssub.s32 $0x0, s20;
	[sflag:s22] =	ssyncset.done $0x0  }
0xa0: {  	[sflag:s22] =	ssyncadd.s32 s4;
	_ =	sdelay $0x1  }
0xa1: {  	s23 =	simm.s32 $0x1B8B  }
0xa2: {  	_ =	swait.ge [sflag:s23], $0x1  }
0xa3: {  	[sflag:s23] =	ssyncset.done $0x0  }
0xa4: {  	s25 =	simm.s32 $0x1B8E;
	s24 =	sld [smem:$0x3FFE];
	[sflag:s23] =	ssyncadd.s32 $0xFFFFFFFF  }
0xa5: {  	s26 =	simm.s32 $execute0_lowered;
	[smem:$0x3FD2] =	sst s25  }
0xa6: {  	s5 =	sshll.u32 s26, $0x1;
	_ =	strace $0x80000046;
	[dreg:$0x1] =	wrdreg $0xFFFFFFFF  }
0xa7: {  	s28 =	simm.s32 $_size_execute0_lowered;
	s3 =	sadd.s32 s3, s5;
	[dreg:$0x0] =	wrdreg $0x0  }
0xa8: {  	s5 =	sshll.u32 s28, $0x1;
	[dreg:$0x2] =	wrdreg s3  }
0xa9: {  	[dreg:$0x3] =	wrdreg s5  }
0xaa: {  	[dreg:$0x4] =	wrdreg $0xC0  }
0xab: {  	_ =	task [dreg:s7], $0x5FFFF  }
0xac: {  	[dreg:$0x1] =	wrdreg $0xFFFFFFFF  }
0xad: {  	[dreg:$0x0] =	wrdreg $0x60  }
0xae: {  	[dreg:$0x2] =	wrdreg s2  }
0xaf: {  	[dreg:$0x3] =	wrdreg s24  }
0xb0: {  	[dreg:$0x4] =	wrdreg $0x9  }
0xb1: {  	_ =	task.clear_ibuf [dreg:s7], $0x5FFFF;
	_ =	strace $0x90000046  }
0xb2: {  	s29 =	simm.s32 $0x9;
	_ =	strace $0x80000048  }
0xb3: {  	_ =	swait.ge [sflag:s29], $0x1  }
0xb4: {  	[sflag:s29] =	ssyncadd.s32 $0xFFFFFFFF  }
0xb5: {  	_ =	strace $0x90000048  }
0xb6: {  	_ =	sfence  }
0xb7: {  	s30 =	sld [smem:$0x0];
	_ =	sdelay $0x2  }
0xb8: {  	s31 =	sshll.u32 s1, $0xD;
	s1 =	sshrl.u32 s1, $0x2  }
0xb9: {  	s3 =	sand.u32 $0x4000, s31;
	s1 =	sadd.s32 s1, s30  }
0xba: {  	s0 =	sor.u32 s3, s0;
	s1 =	sshll.u32 s1, $0x11  }
0xbb: {  	s0 =	sor.u32 s1, s0  }
0xbc: {  	s0 =	sadd.s32 $0x8F2B, s0  }
0xbd: {  	[sflag:s0] =	ssyncadd.remote.s32 $0x1  }
0xbe: {  	_ =	sfence.sel $0xFFFF  }
0xbf: {  	[dreg:$0x0] =	wrdreg $0xFFFFFFFF;
	(pc) =	sbr.abs _section_cstart, $3  }
0xc0: {  	[dreg:$0x1] =	wrdreg $0xFFFFFFFF  }
0xc1: {  	_ =	task.clear_ibuf [dreg:s7], $0x2FFFF;
	_ =	strace $0x9FFFFFFF  }
0xc2: {  	(tm) =	ssettm $0x7FFFFFFF  }
0xc3: {  	_ =	shalt  }
tec
execute0_lowered:
.L_overlay_start_1:
0x0: {  	(tag) =	ssettag $0x1  }
0x1: {  	v0 =	vimm.s32 $0x2380;
	vm14 =	vcmask $0x300;
	vm13 =	vcmask $0x704  }
0x2: {  	vm12 =	vcmask $0xB08;
	vm11 =	vcmask $0xF0C;
	vm10 =	vcmask $0x1310  }
0x3: {  	vm9 =	vcmask $0x1714;
	vm8 =	vcmask $0x1B18;
	vm7 =	vcmask $0x1F1C  }
0x4: {  	vm6 =	vcmask $0x2320;
	vm5 =	vcmask $0x2724;
	vm4 =	vcmask $0x2B28  }
0x5: {  	vm3 =	vcmask $0x2F2C;
	vm2 =	vcmask $0x3330;
	vm1 =	vcmask $0x3734  }
0x6: {  	vm0 =	vcmask $0x3B38;
	v1 =	vimm.f32 $0.0e+00;
	v2 =	vimm.s32 $0x6380  }
0x7: {  	v3 =	vimm.s32 $0xA380;
	v4 =	vimm.s32 $0xE380;
	v5 =	vimm.f32 $1.000000000e+00  }
0x8: {  	v0 =	vsel vm14, $0x0, v0;
	v2 =	vsel vm14, $0x4000, v2;
	v3 =	vsel vm14, $0x8000, v3  }
0x9: {  	v4 =	vsel vm14, $0xC000, v4;
	v0 =	vsel vm13, $0x80, v0;
	v2 =	vsel vm13, $0x4080, v2  }
0xa: {  	v3 =	vsel vm13, $0x8080, v3;
	v4 =	vsel vm13, $0xC080, v4;
	v0 =	vsel vm12, $0x100, v0  }
0xb: {  	v2 =	vsel vm12, $0x4100, v2;
	v3 =	vsel vm12, $0x8100, v3;
	v4 =	vsel vm12, $0xC100, v4  }
0xc: {  	v0 =	vsel vm11, $0x180, v0;
	v2 =	vsel vm11, $0x4180, v2;
	v3 =	vsel vm11, $0x8180, v3  }
0xd: {  	v4 =	vsel vm11, $0xC180, v4;
	v0 =	vsel vm10, $0x200, v0;
	v2 =	vsel vm10, $0x4200, v2  }
0xe: {  	v3 =	vsel vm10, $0x8200, v3;
	v4 =	vsel vm10, $0xC200, v4;
	v0 =	vsel vm9, $0x280, v0  }
0xf: {  	v2 =	vsel vm9, $0x4280, v2;
	v3 =	vsel vm9, $0x8280, v3;
	v4 =	vsel vm9, $0xC280, v4  }
0x10: {  	s4 =	rddreg [dreg:$0x0];
	v0 =	vsel vm8, $0x300, v0;
	v2 =	vsel vm8, $0x4300, v2;
	v3 =	vsel vm8, $0x8300, v3  }
0x11: {  	s5 =	rddreg [dreg:$0x1];
	v4 =	vsel vm8, $0xC300, v4;
	v0 =	vsel vm7, $0x380, v0;
	v2 =	vsel vm7, $0x4380, v2  }
0x12: {  	s0 =	rddreg [dreg:$0x2];
	v3 =	vsel vm7, $0x8380, v3;
	v4 =	vsel vm7, $0xC380, v4;
	v0 =	vsel vm6, $0x2000, v0  }
0x13: {  	s1 =	simm.s32 $0x0;
	s2 =	stileid.u32;
	s7 =	srdreg.scid;
	v2 =	vsel vm6, $0x6000, v2;
	v3 =	vsel vm6, $0xA000, v3;
	v4 =	vsel vm6, $0xE000, v4  }
0x14: {  	s11 =	simm.s32 $0x1;
	[smem:$0x7FF] =	sst s1;
	s6 =	smul.u32 $0x1C0000, s2;
	v0 =	vsel vm5, $0x2080, v0;
	v2 =	vsel vm5, $0x6080, v2;
	v3 =	vsel vm5, $0xA080, v3  }
0x15: {  	s3 =	sadd.s32 $0x400, s5;
	s7 =	sand.u32 $0x1, s7;
	s10 =	sshll.u32 s2, $0xC;
	v4 =	vsel vm5, $0xE080, v4;
	v0 =	vsel vm4, $0x2100, v0;
	v2 =	vsel vm4, $0x6100, v2  }
0x16: {  	s12 =	simm.s32 $0x0;
	_ =	strace $0x80000047;
	s8 =	smul.u32 $0xE0000, s7;
	v3 =	vsel vm4, $0xA100, v3;
	v4 =	vsel vm4, $0xE100, v4;
	v0 =	vsel vm3, $0x2180, v0  }
.Ltmp0:
0x17: {  	s31 =	ssub.s32 $0x2, s7;
	s7 =	sshll.u32 s7, $0xB;
	v2 =	vsel vm3, $0x6180, v2;
	v3 =	vsel vm3, $0xA180, v3;
	v4 =	vsel vm3, $0xE180, v4;
	(pc) =	sbr.rel .LBB2_1-.Ltmp0, $4  }
0x18: {  	s5 =	sadd.s32 s6, s5;
	s9 =	sshrl.u32 s31, $0x1;
	s7 =	sor.u32 s7, s10;
	v0 =	vsel vm2, $0x2200, v0;
	v2 =	vsel vm2, $0x6200, v2;
	v3 =	vsel vm2, $0xA200, v3  }
0x19: {  	s10 =	simm.s32 $0x2;
	s6 =	ssub.s32 s31, s9;
	s8 =	sadd.s32 s8, s5;
	v4 =	vsel vm2, $0xE200, v4;
	v0 =	vsel vm1, $0x2280, v0;
	v2 =	vsel vm1, $0x6280, v2  }
0x1a: {  	s4 =	sadd.s32 s4, s7;
	s7 =	simm.s32 $0x3;
	s9 =	simm.s32 $0x12000;
	v3 =	vsel vm1, $0xA280, v3;
	v4 =	vsel vm1, $0xE280, v4;
	v0 =	vsel vm0, $0x2300, v0  }
0x1b: {  	s5 =	smax.u32 s6, $0x1;
	s6 =	sadd.s32 $0x2000, s8;
	s8 =	simm.s32 $0x4000;
	v2 =	vsel vm0, $0x6300, v2;
	v3 =	vsel vm0, $0xA300, v3;
	v4 =	vsel vm0, $0xE300, v4  }
.LBB2_6:
0x1c: {  	s12 =	sadd.s32 $0x1, s12  }
0x1d: {  	_ =	swait.ge [sflag:s11], $0xE000;
	p0 =	sne.s32 s12, s5  }
.Ltmp1:
0x1e: {  	[sflag:s11] =	ssyncset.done $0x0;
	(pc) =	sbr.rel @!p0 .LBB2_7-.Ltmp1, $4  }
0x1f: {  	[sflag:s11] =	ssyncadd.s32 $0xFFFF2000  }
0x20: {  	_ =	swait.ge [sflag:s10], $0xE000  }
0x21: {  	[sflag:s10] =	ssyncset.done $0x0  }
0x22: {  	[sflag:s10] =	ssyncadd.s32 $0xFFFF2000  }
.LBB2_1:
0x23: {  	[tilespmem:s1], [sflag:$0x3] =	stream.linear.gather [hbm4b:s4+s1], $0x4000, $0x38;
	v63 =	vld [tilespmem:$0x0]  }
0x24: {  	_ =	swait.ge [sflag:s7], $0x4000  }
0x25: {  	[sflag:s7] =	ssyncset.done $0x0  }
0x26: {  	[sflag:s7] =	ssyncadd.s32 $0xFFFFC000  }
0x27: {  	[tilespmem:s8], [sflag:$0x3] =	stream.linear.gather [hbm4b:s3+s1], $0xE000, $0x38;
	v63 =	vld [tilespmem:$0x0]  }
0x28: {  	_ =	swait.ge [sflag:s7], $0xE000  }
0x29: {  	[sflag:s7] =	ssyncset.done $0x0  }
.Ltmp2:
0x2a: {  	[sflag:s7] =	ssyncadd.s32 $0xFFFF2000;
	(pc) =	sbr.rel .LBB2_2-.Ltmp2, $4  }
0x2b: {  	[tilespmem:s9], [sflag:$0x3] =	stream.linear.gather [hbm4b:s3+s1], $0xE000, $0x38;
	v63 =	vld [tilespmem:$0x0]  }
0x2c: {  	_ =	swait.ge [sflag:s7], $0xE000  }
0x2d: {  	s13 =	smov.u32 s6;
	[sflag:s7] =	ssyncset.done $0x0  }
0x2e: {  	s14 =	simm.s32 $0x0;
	s15 =	simm.s32 $0x0;
	[sflag:s7] =	ssyncadd.s32 $0xFFFF2000  }
.LBB2_4:
0x2f: {  	_ =	swait.ge @!p0 [sflag:s10], $0xE000  }
0x30: {  	s16 =	simm.s32 $0x200;
	[sflag:s10] =	ssyncset.done @!p0 $0x0  }
0x31: {  	s16 =	sshra.s32 @!p0 s14, $0x2;
	[sflag:s10] =	ssyncadd.s32 @!p0 $0xFFFF2000  }
0x32: {  	v6 =	vld @!p0 [tilespmem:s16+$0xFFFFFF00];
	_ =	sdelay $0x4  }
0x33: {  	v7 =	vshll.u32 @!p0 v6, $0x3  }
0x34: {  	v6 =	vand.u32 @!p0 $0x7F, v6;
	v7 =	vand.u32 @!p0 $0xFFFFFC00, v7  }
0x35: {  	v6 =	vor.u32 @!p0 v6, v7  }
0x36: {  	v6 =	vadd.s32 @!p0 v0, v6;
	_ =	sdelay $0x4  }
0x37: {  	[tilespmem:v6+s9+$0x0] =	vst.idx.msk @!p0 $0xffff, v1  }
0x38: {  	v6 =	vld @!p0 [tilespmem:s16+$0xFFFFFF10];
	_ =	sdelay $0x4  }
0x39: {  	v7 =	vshll.u32 @!p0 v6, $0x3  }
0x3a: {  	v6 =	vand.u32 @!p0 $0x7F, v6;
	v7 =	vand.u32 @!p0 $0xFFFFFC00, v7  }
0x3b: {  	v6 =	vor.u32 @!p0 v6, v7  }
0x3c: {  	v6 =	vadd.s32 @!p0 v2, v6;
	_ =	sdelay $0x4  }
0x3d: {  	[tilespmem:v6+s9+$0x0] =	vst.idx.msk @!p0 $0xffff, v1  }
0x3e: {  	v6 =	vld @!p0 [tilespmem:s16+$0xFFFFFF20];
	_ =	sdelay $0x4  }
0x3f: {  	v7 =	vshll.u32 @!p0 v6, $0x3  }
0x40: {  	v6 =	vand.u32 @!p0 $0x7F, v6;
	v7 =	vand.u32 @!p0 $0xFFFFFC00, v7  }
0x41: {  	v6 =	vor.u32 @!p0 v6, v7  }
0x42: {  	v6 =	vadd.s32 @!p0 v3, v6;
	_ =	sdelay $0x4  }
0x43: {  	[tilespmem:v6+s9+$0x0] =	vst.idx.msk @!p0 $0xffff, v1  }
0x44: {  	v6 =	vld @!p0 [tilespmem:s16+$0xFFFFFF30];
	_ =	sdelay $0x4  }
0x45: {  	v7 =	vshll.u32 @!p0 v6, $0x3  }
0x46: {  	v6 =	vand.u32 @!p0 $0x7F, v6;
	v7 =	vand.u32 @!p0 $0xFFFFFC00, v7  }
0x47: {  	v6 =	vor.u32 @!p0 v6, v7  }
0x48: {  	v6 =	vadd.s32 @!p0 v4, v6;
	_ =	sdelay $0x3  }
0x49: {  	s16 =	smov.u32 @!p0 s14  }
0x4a: {  	s16 =	sshra.s32 s16, $0x2;
	[tilespmem:v6+s9+$0x0] =	vst.idx.msk @!p0 $0x3, v1  }
0x4b: {  	v6 =	vld [tilespmem:s16+$0x0];
	_ =	sdelay $0x4  }
0x4c: {  	v7 =	vshll.u32 v6, $0x3  }
0x4d: {  	v6 =	vand.u32 $0x7F, v6;
	v7 =	vand.u32 $0xFFFFFC00, v7  }
0x4e: {  	v6 =	vor.u32 v6, v7  }
0x4f: {  	v6 =	vadd.s32 v0, v6;
	_ =	sdelay $0x4  }
0x50: {  	[tilespmem:v6+s9+$0x0] =	vst.idx.msk $0xffff, v5  }
0x51: {  	v6 =	vld [tilespmem:s16+$0x10];
	_ =	sdelay $0x4  }
0x52: {  	v7 =	vshll.u32 v6, $0x3  }
0x53: {  	v6 =	vand.u32 $0x7F, v6;
	v7 =	vand.u32 $0xFFFFFC00, v7  }
0x54: {  	v6 =	vor.u32 v6, v7  }
0x55: {  	v6 =	vadd.s32 v2, v6;
	_ =	sdelay $0x4  }
0x56: {  	[tilespmem:v6+s9+$0x0] =	vst.idx.msk $0xffff, v5  }
0x57: {  	v6 =	vld [tilespmem:s16+$0x20];
	_ =	sdelay $0x4  }
0x58: {  	v7 =	vshll.u32 v6, $0x3  }
0x59: {  	v6 =	vand.u32 $0x7F, v6;
	v7 =	vand.u32 $0xFFFFFC00, v7  }
0x5a: {  	v6 =	vor.u32 v6, v7  }
0x5b: {  	v6 =	vadd.s32 v3, v6;
	_ =	sdelay $0x4  }
0x5c: {  	[tilespmem:v6+s9+$0x0] =	vst.idx.msk $0xffff, v5  }
0x5d: {  	v6 =	vld [tilespmem:s16+$0x30];
	_ =	sdelay $0x4  }
0x5e: {  	v7 =	vshll.u32 v6, $0x3  }
0x5f: {  	v6 =	vand.u32 $0x7F, v6;
	v7 =	vand.u32 $0xFFFFFC00, v7  }
0x60: {  	v6 =	vor.u32 v6, v7  }
0x61: {  	v6 =	vadd.s32 v4, v6;
	_ =	sdelay $0x4  }
0x62: {  	[tilespmem:v6+s9+$0x0] =	vst.idx.msk $0x3, v5  }
0x63: {  	[hbm4b:s13+s1] =	stream.linear.scatter [tilespmem:s9], [sflag:$0x2], $0xE000, $0x38;
	v63 =	vld [tilespmem:$0x0]  }
.LBB2_5:
0x64: {  	s14 =	sadd.s32 $0x200, s14  }
0x65: {  	p0 =	sne.s32 s14, $0x10000  }
.Ltmp3:
0x66: {  	_ = 	snop;
	(pc) =	sbr.rel @!p0 .LBB2_6-.Ltmp3, $2  }
0x67: {  	_ =	sdelay $0x2  }
0x68: {  	s15 =	sadd.s32 $0x1, s15;
	s13 =	sadd.s32 $0x1C00, s13  }
.LBB2_2:
0x69: {  	s16 =	sand.u32 $0x1, s15  }
0x6a: {  	p1 =	seq.s32 s16, $0x1  }
.Ltmp4:
0x6b: {  	_ = 	snop;
	(pc) =	sbr.rel @p1 .LBB2_4-.Ltmp4, $2  }
0x6c: {  	_ =	sdelay $0x2  }
0x6d: {  	p0 =	slt.u32 s15, $0x2  }
0x6e: {  	_ =	swait.ge @!p0 [sflag:s11], $0xE000  }
0x6f: {  	s16 =	simm.s32 $0x0;
	[sflag:s11] =	ssyncset.done @!p0 $0x0  }
0x70: {  	s16 =	sshra.s32 @!p0 s14, $0x2;
	[sflag:s11] =	ssyncadd.s32 @!p0 $0xFFFF2000  }
0x71: {  	v6 =	vld @!p0 [tilespmem:s16+$0xFFFFFF00];
	_ =	sdelay $0x4  }
0x72: {  	v7 =	vshll.u32 @!p0 v6, $0x3  }
0x73: {  	v6 =	vand.u32 @!p0 $0x7F, v6;
	v7 =	vand.u32 @!p0 $0xFFFFFC00, v7  }
0x74: {  	v6 =	vor.u32 @!p0 v6, v7  }
0x75: {  	v6 =	vadd.s32 @!p0 v0, v6;
	_ =	sdelay $0x4  }
0x76: {  	[tilespmem:v6+s8+$0x0] =	vst.idx.msk @!p0 $0xffff, v1  }
0x77: {  	v6 =	vld @!p0 [tilespmem:s16+$0xFFFFFF10];
	_ =	sdelay $0x4  }
0x78: {  	v7 =	vshll.u32 @!p0 v6, $0x3  }
0x79: {  	v6 =	vand.u32 @!p0 $0x7F, v6;
	v7 =	vand.u32 @!p0 $0xFFFFFC00, v7  }
0x7a: {  	v6 =	vor.u32 @!p0 v6, v7  }
0x7b: {  	v6 =	vadd.s32 @!p0 v2, v6;
	_ =	sdelay $0x4  }
0x7c: {  	[tilespmem:v6+s8+$0x0] =	vst.idx.msk @!p0 $0xffff, v1  }
0x7d: {  	v6 =	vld @!p0 [tilespmem:s16+$0xFFFFFF20];
	_ =	sdelay $0x4  }
0x7e: {  	v7 =	vshll.u32 @!p0 v6, $0x3  }
0x7f: {  	v6 =	vand.u32 @!p0 $0x7F, v6;
	v7 =	vand.u32 @!p0 $0xFFFFFC00, v7  }
0x80: {  	v6 =	vor.u32 @!p0 v6, v7  }
0x81: {  	v6 =	vadd.s32 @!p0 v3, v6;
	_ =	sdelay $0x4  }
0x82: {  	[tilespmem:v6+s8+$0x0] =	vst.idx.msk @!p0 $0xffff, v1  }
0x83: {  	v6 =	vld @!p0 [tilespmem:s16+$0xFFFFFF30];
	_ =	sdelay $0x4  }
0x84: {  	v7 =	vshll.u32 @!p0 v6, $0x3  }
0x85: {  	v6 =	vand.u32 @!p0 $0x7F, v6;
	v7 =	vand.u32 @!p0 $0xFFFFFC00, v7  }
0x86: {  	v6 =	vor.u32 @!p0 v6, v7  }
0x87: {  	v6 =	vadd.s32 @!p0 v4, v6;
	_ =	sdelay $0x3  }
0x88: {  	s16 =	smov.u32 @!p0 s14  }
0x89: {  	s16 =	sshra.s32 s16, $0x2;
	[tilespmem:v6+s8+$0x0] =	vst.idx.msk @!p0 $0x3, v1  }
0x8a: {  	v6 =	vld [tilespmem:s16+$0x0];
	_ =	sdelay $0x4  }
0x8b: {  	v7 =	vshll.u32 v6, $0x3  }
0x8c: {  	v6 =	vand.u32 $0x7F, v6;
	v7 =	vand.u32 $0xFFFFFC00, v7  }
0x8d: {  	v6 =	vor.u32 v6, v7  }
0x8e: {  	v6 =	vadd.s32 v0, v6;
	_ =	sdelay $0x4  }
0x8f: {  	[tilespmem:v6+s8+$0x0] =	vst.idx.msk $0xffff, v5  }
0x90: {  	v6 =	vld [tilespmem:s16+$0x10];
	_ =	sdelay $0x4  }
0x91: {  	v7 =	vshll.u32 v6, $0x3  }
0x92: {  	v6 =	vand.u32 $0x7F, v6;
	v7 =	vand.u32 $0xFFFFFC00, v7  }
0x93: {  	v6 =	vor.u32 v6, v7  }
0x94: {  	v6 =	vadd.s32 v2, v6;
	_ =	sdelay $0x4  }
0x95: {  	[tilespmem:v6+s8+$0x0] =	vst.idx.msk $0xffff, v5  }
0x96: {  	v6 =	vld [tilespmem:s16+$0x20];
	_ =	sdelay $0x4  }
0x97: {  	v7 =	vshll.u32 v6, $0x3  }
0x98: {  	v6 =	vand.u32 $0x7F, v6;
	v7 =	vand.u32 $0xFFFFFC00, v7  }
0x99: {  	v6 =	vor.u32 v6, v7  }
0x9a: {  	v6 =	vadd.s32 v3, v6;
	_ =	sdelay $0x4  }
0x9b: {  	[tilespmem:v6+s8+$0x0] =	vst.idx.msk $0xffff, v5  }
0x9c: {  	v6 =	vld [tilespmem:s16+$0x30];
	_ =	sdelay $0x4  }
0x9d: {  	v7 =	vshll.u32 v6, $0x3  }
0x9e: {  	v6 =	vand.u32 $0x7F, v6;
	v7 =	vand.u32 $0xFFFFFC00, v7  }
0x9f: {  	v6 =	vor.u32 v6, v7  }
0xa0: {  	v6 =	vadd.s32 v4, v6;
	_ =	sdelay $0x1  }
.Ltmp5:
0xa1: {  	_ = 	snop;
	(pc) =	sbr.rel .LBB2_5-.Ltmp5, $3  }
0xa2: {  	_ =	sdelay $0x1  }
0xa3: {  	[tilespmem:v6+s8+$0x0] =	vst.idx.msk $0x3, v5  }
0xa4: {  	[hbm4b:s13+s1] =	stream.linear.scatter [tilespmem:s8], [sflag:$0x1], $0xE000, $0x38;
	v63 =	vld [tilespmem:$0x0]  }
.LBB2_7:
0xa5: {  	_ =	sfence.sel $0x180000  }
0xa6: {  	[bflag:$0x0] =	sbarrier.arrive $0xFFFF  }
0xa7: {  	p0 =	sne.s32 s2, $0x0;
	_ =	strace $0x90000047  }
0xa8: {  	s0 =	sadd.s32 @!p0 $0x100000, s0;
	[bflag:$0x2] =	sbarrier.arrive $0xFFFF  }
0xa9: {  	[sflag:s0] =	ssyncadd.tile.s32 @!p0 $0x1;
	_ =	shalt  }
.Lfunc_end2:
_tile_overlayer_lowered:
.L_overlay_start_2:
0xaa: {  	(tag) =	ssettag $0x2  }
0xab: {  	s0 =	rddreg [dreg:$0x0];
	s2 =	stileid.u32  }
0xac: {  	s1 =	rddreg [dreg:$0x1];
	p0 =	sne.s32 s2, $0x0  }
0xad: {  	s3 =	rddreg [dreg:$0x2];
	[bflag:$0x3] =	sbarrier.arrive $0xFFFF;
	s2 =	simm.s32 @!p0 $0x1C03  }
0xae: {  	[timem:s3], [sflag:s2] =	dma.local @!p0 [hbm:s0], s1  }
0xaf: {  	s0 =	simm.s32 @!p0 $0x3  }
0xb0: {  	_ =	swait.ge @!p0 [sflag:s0], s1  }
0xb1: {  	s1 =	ssub.s32 @!p0 $0x0, s1;
	[sflag:s0] =	ssyncset.done @!p0 $0x0  }
0xb2: {  	[sflag:s0] =	ssyncadd.s32 @!p0 s1  }
0xb3: {  	[bflag:$0x3] =	sbarrier.arrive $0xFFFF  }
0xb4: {  	_ =	shalt  }

</sc_bundles>
